<compile_context>
chip_gen: v7x
topology: tpu7x:2x2x1
jax: 0.10.2.dev20260603
libtpu: 0.0.44.dev20260713+nightly
codegen_flags: <defaults>
</compile_context>

<pallas_src>
import functools

import jax
import jax.numpy as jnp
from jax import lax
from jax.experimental import pallas as pl
from jax.experimental.pallas import tpu as pltpu
from jax.experimental.pallas import tpu_sc as plsc

_EPS = 1e-06
_NC = 2
_NS = 16
_L = 16
_SLAB = 128

_LN2 = 0.6931471805599453


def _make_sc_kernel(n_nodes, batch, n_children):
    n_slabs = batch // _SLAB
    n_cores = 1
    mesh = plsc.VectorSubcoreMesh(
        core_axis_name="c", subcore_axis_name="s", num_cores=n_cores)

    @functools.partial(
        pl.kernel,
        out_type=jax.ShapeDtypeStruct((batch,), jnp.float32),
        mesh=mesh,
        scratch_types=[
            pltpu.VMEM((n_children,), jnp.int32),
            pltpu.VMEM((n_children, _SLAB), jnp.float32),
            pltpu.VMEM((n_children, _L), jnp.float32),
            pltpu.VMEM((_SLAB,), jnp.float32),
            pltpu.SemaphoreType.DMA,
            pltpu.SemaphoreType.DMA,
        ],
    )
    def sc_kernel(table_hbm, idx_hbm, w_hbm, out_hbm,
                  idx_v, rows_v, w_v, out_v, sem_g, sem_w):
        wid = lax.axis_index("s") * n_cores + lax.axis_index("c")

        @pl.when(wid < n_slabs)
        def _():
            base = wid * _SLAB
            cw = pltpu.async_copy(w_hbm, w_v, sem_w)
            pltpu.sync_copy(idx_hbm, idx_v)
            cg = pltpu.async_copy(
                table_hbm.at[idx_v, pl.ds(base, _SLAB)], rows_v, sem_g
            )
            cw.wait()
            cg.wait()

            def group_body(g, carry):
                csl = pl.ds(g * _L, _L)

                def max_body(jb, ms):
                    j = jb * 4
                    return (jnp.maximum(ms[0], rows_v[j, csl]),
                            jnp.maximum(ms[1], rows_v[j + 1, csl]),
                            jnp.maximum(ms[2], rows_v[j + 2, csl]),
                            jnp.maximum(ms[3], rows_v[j + 3, csl]))

                m0, m1, m2, m3 = lax.fori_loop(
                    1, n_children // 4, max_body,
                    (rows_v[0, csl], rows_v[1, csl],
                     rows_v[2, csl], rows_v[3, csl]))
                m = jnp.maximum(jnp.maximum(m0, m1), jnp.maximum(m2, m3))

                def sum_body(jb, ss):
                    j = jb * 4
                    return (ss[0] + w_v[j] * jnp.exp(rows_v[j, csl] - m),
                            ss[1] + w_v[j + 1] * jnp.exp(rows_v[j + 1, csl] - m),
                            ss[2] + w_v[j + 2] * jnp.exp(rows_v[j + 2, csl] - m),
                            ss[3] + w_v[j + 3] * jnp.exp(rows_v[j + 3, csl] - m))

                z = jnp.zeros((_L,), jnp.float32)
                s0, s1, s2, s3 = lax.fori_loop(
                    0, n_children // 4, sum_body, (z, z, z, z))
                s = (s0 + s1) + (s2 + s3)

                bits = lax.bitcast_convert_type(s, jnp.int32)
                y = (bits.astype(jnp.float32) * jnp.float32(_LN2 / (1 << 23))
                     - jnp.float32(127 * _LN2))
                for _ in range(3):
                    y = y + s * jnp.exp(-y) - jnp.float32(1.0)

                out_v[csl] = m + y
                return carry

            lax.fori_loop(0, _SLAB // _L, group_body, 0)

            pltpu.sync_copy(out_v, out_hbm.at[pl.ds(base, _SLAB)])

    return sc_kernel


def kernel(function_values, weights, children_indices):
    n_nodes, batch = function_values.shape
    n_children = weights.shape[0]
    assert batch % _SLAB == 0 and batch // _SLAB <= _NC * _NS
    assert n_children % 4 == 0

    idx = children_indices.astype(jnp.int32)
    w_eps = jnp.broadcast_to(
        (weights + jnp.float32(_EPS))[:, None], (n_children, _L))
    sc_kernel = _make_sc_kernel(n_nodes, batch, n_children)
    return sc_kernel(function_values, idx, w_eps)

# --- scband reference (transcript-rebuilt; emitter-appended) ---
"""Pipeline reference for scband-sum-node-87411174408947 (READ-ONLY COPY).

The authoritative reference and input builder live on the scoring server;
editing this copy changes nothing except your own understanding.
"""

import jax, jax.numpy as jnp
import numpy as np

N_NODES = 50000
BATCH = 2048
N_CHILDREN = 64
EPS = 1e-06


def setup_inputs(seed: int = 0) -> dict:
    key = jax.random.key(seed)
    k1, k2, k3 = jax.random.split(key, 3)
    function_values = jax.random.normal(k1, (N_NODES, BATCH), dtype=jnp.float32)
    w = jax.random.uniform(k2, (N_CHILDREN,), dtype=jnp.float32, minval=0.1, maxval=1.0)
    weights = w / jnp.sum(w)  # normalized mixture weights, like a trained SPN sum node
    children_indices = jax.random.randint(k3, (N_CHILDREN,), 0, N_NODES, dtype=jnp.int32)
    return {
        "function_values": function_values,
        "weights": weights,
        "children_indices": children_indices,
    }


def reference(function_values, weights, children_indices):
    # log_weights = log(weights + eps).unsqueeze(1)
    log_weights = jnp.log(weights + EPS)[:, None]  # [n_children, 1]
    # child_values = function_values[children_indices]  (row gather)
    child_values = jnp.take(function_values, children_indices, axis=0)  # [n_children, batch]
    weighted_child_values = child_values + log_weights
    curr_node_value = jax.scipy.special.logsumexp(weighted_child_values, axis=0)  # [batch]
    return curr_node_value

if __name__ == "__main__":
    import jax
    _d = setup_inputs()
    print(jax.jit(kernel)(*tuple(_d.values())))

</pallas_src>

<mosaic_0001>
#map = affine_map<(d0, d1) -> (0, 0)>
#map1 = affine_map<(d0, d1) -> (0)>
module attributes {stable_mosaic.version = 14 : i64} {
  func.func @sc_kernel(%arg0: i32, %arg1: i32, %arg2: memref<50000x2048xf32, #tpu.memory_space<hbm>>, %arg3: memref<64xi32, #tpu.memory_space<hbm>>, %arg4: memref<64x16xf32, #tpu.memory_space<hbm>>, %arg5: memref<2048xf32, #tpu.memory_space<hbm>>, %arg6: memref<64xi32, #tpu.memory_space<vmem>>, %arg7: memref<64x128xf32, #tpu.memory_space<vmem>>, %arg8: memref<64x16xf32, #tpu.memory_space<vmem>>, %arg9: memref<128xf32, #tpu.memory_space<vmem>>, %arg10: memref<!tpu.dma_semaphore, #tpu.memory_space<semaphore_mem>>, %arg11: memref<!tpu.dma_semaphore, #tpu.memory_space<semaphore_mem>>) attributes {dimension_semantics = [#tpu.dimension_semantics<core_parallel>, #tpu.dimension_semantics<subcore_parallel>], iteration_bounds = array<i64: 1, 16>, scalar_prefetch = 0 : i64, scratch_operands = 6 : i64, tpu.core_type = #tpu.core_type<sc_vector_subcore>, window_params = [{transform_indices = #map}, {transform_indices = #map1}, {transform_indices = #map}, {transform_indices = #map1}]} {
    %mul3A = arith.constant 1 : i32
    %mul3A_0 = arith.muli %arg1, %mul3A : i32
    %add3A = arith.addi %mul3A_0, %arg0 : i32
    %lt3A = arith.constant 16 : i32
    %lt3A_1 = arith.cmpi slt, %add3A, %lt3A : i32
    %convert_element_type3A = arith.extui %lt3A_1 : i1 to i32
    %cond3A = arith.constant 0 : i32
    %cond3A_2 = arith.cmpi ne, %convert_element_type3A, %cond3A : i32
    scf.if %cond3A_2 {
      %mul3A_3 = arith.constant 128 : i32
      %mul3A_4 = arith.muli %add3A, %mul3A_3 : i32
      tpu.enqueue_dma source(%arg4 : memref<64x16xf32, #tpu.memory_space<hbm>>) target(%arg8 : memref<64x16xf32, #tpu.memory_space<vmem>>) target_semaphore(%arg11 : memref<!tpu.dma_semaphore, #tpu.memory_space<semaphore_mem>>)
      "tpu.region"() ({
        %run_scoped3A = tpu.sem_alloc : memref<!tpu.dma_semaphore, #tpu.memory_space<semaphore_mem>>
        tpu.enqueue_dma source(%arg3 : memref<64xi32, #tpu.memory_space<hbm>>) target(%arg6 : memref<64xi32, #tpu.memory_space<vmem>>) target_semaphore(%run_scoped3A : memref<!tpu.dma_semaphore, #tpu.memory_space<semaphore_mem>>)
        tpu.wait_dma2 semaphore(%run_scoped3A : memref<!tpu.dma_semaphore, #tpu.memory_space<semaphore_mem>>) src(%arg3 : memref<64xi32, #tpu.memory_space<hbm>>) dst(%arg6 : memref<64xi32, #tpu.memory_space<vmem>>)
        tpu.yield
      }) : () -> ()
      %dma_start3A = arith.constant 0 : i32
      %dma_start3A_5 = tpu.memref_slice %arg2[%dma_start3A, %mul3A_4] : memref<50000x2048xf32, #tpu.memory_space<hbm>> -> memref<50000x128xf32, #tpu.memory_space<hbm>>
      tpu.enqueue_indirect_dma source(%dma_start3A_5 : memref<50000x128xf32, #tpu.memory_space<hbm>>) target(%arg7 : memref<64x128xf32, #tpu.memory_space<vmem>>) offsets(%arg6 : memref<64xi32, #tpu.memory_space<vmem>>) semaphore(%arg10 : memref<!tpu.dma_semaphore, #tpu.memory_space<semaphore_mem>>)
      tpu.wait_dma2 semaphore(%arg11 : memref<!tpu.dma_semaphore, #tpu.memory_space<semaphore_mem>>) src(%arg4 : memref<64x16xf32, #tpu.memory_space<hbm>>) dst(%arg8 : memref<64x16xf32, #tpu.memory_space<vmem>>)
      %dma_wait3A = arith.constant 0 : i32
      %dma_wait3A_6 = tpu.memref_slice %arg2[%dma_wait3A, %mul3A_4] : memref<50000x2048xf32, #tpu.memory_space<hbm>> -> memref<50000x128xf32, #tpu.memory_space<hbm>>
      tpu.wait_indirect_dma semaphore(%arg10 : memref<!tpu.dma_semaphore, #tpu.memory_space<semaphore_mem>>) src(%dma_wait3A_6 : memref<50000x128xf32, #tpu.memory_space<hbm>>) dst(%arg7 : memref<64x128xf32, #tpu.memory_space<vmem>>)
      %scan3A = arith.constant 0 : i32
      %scan3A_7 = arith.constant 0 : i32
      %scan3A_8 = arith.constant 8 : i32
      %scan3A_9 = arith.addi %scan3A_7, %scan3A_8 : i32
      %scan3A_10 = arith.constant 1 : i32
      scf.for %scan3A_12 = %scan3A_7 to %scan3A_9 step %scan3A_10  : i32 {
        %mul3A_13 = arith.constant 16 : i32
        %mul3A_14 = arith.muli %scan3A_12, %mul3A_13 : i32
        %get3A = arith.constant 0 : i32
        %get3A_15 = arith.index_cast %get3A : i32 to index
        %get3A_16 = arith.index_cast %mul3A_14 : i32 to index
        %get3A_17 = tpu.vector_load %arg7[%get3A_15, %get3A_16] {strides = array<i32>} : memref<64x128xf32, #tpu.memory_space<vmem>>, vector<1x16xf32>,
        %get3A_18 = vector.shape_cast %get3A_17 : vector<1x16xf32> to vector<16xf32>
        %get3A_19 = arith.constant 1 : i32
        %get3A_20 = arith.index_cast %get3A_19 : i32 to index
        %get3A_21 = arith.index_cast %mul3A_14 : i32 to index
        %get3A_22 = tpu.vector_load %arg7[%get3A_20, %get3A_21] {strides = array<i32>} : memref<64x128xf32, #tpu.memory_space<vmem>>, vector<1x16xf32>,
        %get3A_23 = vector.shape_cast %get3A_22 : vector<1x16xf32> to vector<16xf32>
        %get3A_24 = arith.constant 2 : i32
        %get3A_25 = arith.index_cast %get3A_24 : i32 to index
        %get3A_26 = arith.index_cast %mul3A_14 : i32 to index
        %get3A_27 = tpu.vector_load %arg7[%get3A_25, %get3A_26] {strides = array<i32>} : memref<64x128xf32, #tpu.memory_space<vmem>>, vector<1x16xf32>,
        %get3A_28 = vector.shape_cast %get3A_27 : vector<1x16xf32> to vector<16xf32>
        %get3A_29 = arith.constant 3 : i32
        %get3A_30 = arith.index_cast %get3A_29 : i32 to index
        %get3A_31 = arith.index_cast %mul3A_14 : i32 to index
        %get3A_32 = tpu.vector_load %arg7[%get3A_30, %get3A_31] {strides = array<i32>} : memref<64x128xf32, #tpu.memory_space<vmem>>, vector<1x16xf32>,
        %get3A_33 = vector.shape_cast %get3A_32 : vector<1x16xf32> to vector<16xf32>
        %scan3A_34 = arith.constant 1 : i32
        %scan3A_35 = arith.constant 15 : i32
        %scan3A_36 = arith.addi %scan3A_34, %scan3A_35 : i32
        %scan3A_37 = arith.constant 1 : i32
        %scan3A_38:4 = scf.for %scan3A_87 = %scan3A_34 to %scan3A_36 step %scan3A_37 iter_args(%scan3A_88 = %get3A_18, %scan3A_89 = %get3A_23, %scan3A_90 = %get3A_28, %scan3A_91 = %get3A_33) -> (vector<16xf32>, vector<16xf32>, vector<16xf32>, vector<16xf32>)  : i32 {
          %mul3A_92 = arith.constant 4 : i32
          %mul3A_93 = arith.muli %scan3A_87, %mul3A_92 : i32
          %get3A_94 = arith.index_cast %mul3A_93 : i32 to index
          %get3A_95 = arith.index_cast %mul3A_14 : i32 to index
          %get3A_96 = tpu.vector_load %arg7[%get3A_94, %get3A_95] {strides = array<i32>} : memref<64x128xf32, #tpu.memory_space<vmem>>, vector<1x16xf32>,
          %get3A_97 = vector.shape_cast %get3A_96 : vector<1x16xf32> to vector<16xf32>
          %max3A_98 = arith.maximumf %scan3A_88, %get3A_97 : vector<16xf32>
          %add3A_99 = arith.constant 1 : i32
          %add3A_100 = arith.addi %mul3A_93, %add3A_99 : i32
          %get3A_101 = arith.index_cast %add3A_100 : i32 to index
          %get3A_102 = arith.index_cast %mul3A_14 : i32 to index
          %get3A_103 = tpu.vector_load %arg7[%get3A_101, %get3A_102] {strides = array<i32>} : memref<64x128xf32, #tpu.memory_space<vmem>>, vector<1x16xf32>,
          %get3A_104 = vector.shape_cast %get3A_103 : vector<1x16xf32> to vector<16xf32>
          %max3A_105 = arith.maximumf %scan3A_89, %get3A_104 : vector<16xf32>
          %add3A_106 = arith.constant 2 : i32
          %add3A_107 = arith.addi %mul3A_93, %add3A_106 : i32
          %get3A_108 = arith.index_cast %add3A_107 : i32 to index
          %get3A_109 = arith.index_cast %mul3A_14 : i32 to index
          %get3A_110 = tpu.vector_load %arg7[%get3A_108, %get3A_109] {strides = array<i32>} : memref<64x128xf32, #tpu.memory_space<vmem>>, vector<1x16xf32>,
          %get3A_111 = vector.shape_cast %get3A_110 : vector<1x16xf32> to vector<16xf32>
          %max3A_112 = arith.maximumf %scan3A_90, %get3A_111 : vector<16xf32>
          %add3A_113 = arith.constant 3 : i32
          %add3A_114 = arith.addi %mul3A_93, %add3A_113 : i32
          %get3A_115 = arith.index_cast %add3A_114 : i32 to index
          %get3A_116 = arith.index_cast %mul3A_14 : i32 to index
          %get3A_117 = tpu.vector_load %arg7[%get3A_115, %get3A_116] {strides = array<i32>} : memref<64x128xf32, #tpu.memory_space<vmem>>, vector<1x16xf32>,
          %get3A_118 = vector.shape_cast %get3A_117 : vector<1x16xf32> to vector<16xf32>
          %max3A_119 = arith.maximumf %scan3A_91, %get3A_118 : vector<16xf32>
          scf.yield %max3A_98, %max3A_105, %max3A_112, %max3A_119 : vector<16xf32>, vector<16xf32>, vector<16xf32>, vector<16xf32>
        }
        %scan3A_39 = arith.constant 15 : i32
        %max3A = arith.maximumf %scan3A_38#0, %scan3A_38#1 : vector<16xf32>
        %max3A_40 = arith.maximumf %scan3A_38#2, %scan3A_38#3 : vector<16xf32>
        %max3A_41 = arith.maximumf %max3A, %max3A_40 : vector<16xf32>
        %broadcast_in_dim3A = arith.constant 0.000000e+00 : f32
        %broadcast_in_dim3A_42 = vector.broadcast %broadcast_in_dim3A : f32 to vector<16xf32>
        %scan3A_43 = arith.constant 0 : i32
        %scan3A_44 = arith.constant 16 : i32
        %scan3A_45 = arith.addi %scan3A_43, %scan3A_44 : i32
        %scan3A_46 = arith.constant 1 : i32
        %scan3A_47:4 = scf.for %scan3A_87 = %scan3A_43 to %scan3A_45 step %scan3A_46 iter_args(%scan3A_88 = %broadcast_in_dim3A_42, %scan3A_89 = %broadcast_in_dim3A_42, %scan3A_90 = %broadcast_in_dim3A_42, %scan3A_91 = %broadcast_in_dim3A_42) -> (vector<16xf32>, vector<16xf32>, vector<16xf32>, vector<16xf32>)  : i32 {
          %mul3A_92 = arith.constant 4 : i32
          %mul3A_93 = arith.muli %scan3A_87, %mul3A_92 : i32
          %get3A_94 = arith.index_cast %mul3A_93 : i32 to index
          %get3A_95 = arith.constant 0 : index
          %get3A_96 = tpu.vector_load %arg8[%get3A_94, %get3A_95] {strides = array<i32>} : memref<64x16xf32, #tpu.memory_space<vmem>>, vector<1x16xf32>,
          %get3A_97 = vector.shape_cast %get3A_96 : vector<1x16xf32> to vector<16xf32>
          %get3A_98 = arith.index_cast %mul3A_93 : i32 to index
          %get3A_99 = arith.index_cast %mul3A_14 : i32 to index
          %get3A_100 = tpu.vector_load %arg7[%get3A_98, %get3A_99] {strides = array<i32>} : memref<64x128xf32, #tpu.memory_space<vmem>>, vector<1x16xf32>,
          %get3A_101 = vector.shape_cast %get3A_100 : vector<1x16xf32> to vector<16xf32>
          %sub3A_102 = arith.subf %get3A_101, %max3A_41 : vector<16xf32>
          %exp3A_103 = math.exp %sub3A_102 : vector<16xf32>
          %mul3A_104 = arith.mulf %get3A_97, %exp3A_103 : vector<16xf32>
          %add3A_105 = arith.addf %scan3A_88, %mul3A_104 : vector<16xf32>
          %add3A_106 = arith.constant 1 : i32
          %add3A_107 = arith.addi %mul3A_93, %add3A_106 : i32
          %get3A_108 = arith.index_cast %add3A_107 : i32 to index
          %get3A_109 = arith.constant 0 : index
          %get3A_110 = tpu.vector_load %arg8[%get3A_108, %get3A_109] {strides = array<i32>} : memref<64x16xf32, #tpu.memory_space<vmem>>, vector<1x16xf32>,
          %get3A_111 = vector.shape_cast %get3A_110 : vector<1x16xf32> to vector<16xf32>
          %add3A_112 = arith.constant 1 : i32
          %add3A_113 = arith.addi %mul3A_93, %add3A_112 : i32
          %get3A_114 = arith.index_cast %add3A_113 : i32 to index
          %get3A_115 = arith.index_cast %mul3A_14 : i32 to index
          %get3A_116 = tpu.vector_load %arg7[%get3A_114, %get3A_115] {strides = array<i32>} : memref<64x128xf32, #tpu.memory_space<vmem>>, vector<1x16xf32>,
          %get3A_117 = vector.shape_cast %get3A_116 : vector<1x16xf32> to vector<16xf32>
          %sub3A_118 = arith.subf %get3A_117, %max3A_41 : vector<16xf32>
          %exp3A_119 = math.exp %sub3A_118 : vector<16xf32>
          %mul3A_120 = arith.mulf %get3A_111, %exp3A_119 : vector<16xf32>
          %add3A_121 = arith.addf %scan3A_89, %mul3A_120 : vector<16xf32>
          %add3A_122 = arith.constant 2 : i32
          %add3A_123 = arith.addi %mul3A_93, %add3A_122 : i32
          %get3A_124 = arith.index_cast %add3A_123 : i32 to index
          %get3A_125 = arith.constant 0 : index
          %get3A_126 = tpu.vector_load %arg8[%get3A_124, %get3A_125] {strides = array<i32>} : memref<64x16xf32, #tpu.memory_space<vmem>>, vector<1x16xf32>,
          %get3A_127 = vector.shape_cast %get3A_126 : vector<1x16xf32> to vector<16xf32>
          %add3A_128 = arith.constant 2 : i32
          %add3A_129 = arith.addi %mul3A_93, %add3A_128 : i32
          %get3A_130 = arith.index_cast %add3A_129 : i32 to index
          %get3A_131 = arith.index_cast %mul3A_14 : i32 to index
          %get3A_132 = tpu.vector_load %arg7[%get3A_130, %get3A_131] {strides = array<i32>} : memref<64x128xf32, #tpu.memory_space<vmem>>, vector<1x16xf32>,
          %get3A_133 = vector.shape_cast %get3A_132 : vector<1x16xf32> to vector<16xf32>
          %sub3A_134 = arith.subf %get3A_133, %max3A_41 : vector<16xf32>
          %exp3A_135 = math.exp %sub3A_134 : vector<16xf32>
          %mul3A_136 = arith.mulf %get3A_127, %exp3A_135 : vector<16xf32>
          %add3A_137 = arith.addf %scan3A_90, %mul3A_136 : vector<16xf32>
          %add3A_138 = arith.constant 3 : i32
          %add3A_139 = arith.addi %mul3A_93, %add3A_138 : i32
          %get3A_140 = arith.index_cast %add3A_139 : i32 to index
          %get3A_141 = arith.constant 0 : index
          %get3A_142 = tpu.vector_load %arg8[%get3A_140, %get3A_141] {strides = array<i32>} : memref<64x16xf32, #tpu.memory_space<vmem>>, vector<1x16xf32>,
          %get3A_143 = vector.shape_cast %get3A_142 : vector<1x16xf32> to vector<16xf32>
          %add3A_144 = arith.constant 3 : i32
          %add3A_145 = arith.addi %mul3A_93, %add3A_144 : i32
          %get3A_146 = arith.index_cast %add3A_145 : i32 to index
          %get3A_147 = arith.index_cast %mul3A_14 : i32 to index
          %get3A_148 = tpu.vector_load %arg7[%get3A_146, %get3A_147] {strides = array<i32>} : memref<64x128xf32, #tpu.memory_space<vmem>>, vector<1x16xf32>,
          %get3A_149 = vector.shape_cast %get3A_148 : vector<1x16xf32> to vector<16xf32>
          %sub3A_150 = arith.subf %get3A_149, %max3A_41 : vector<16xf32>
          %exp3A_151 = math.exp %sub3A_150 : vector<16xf32>
          %mul3A_152 = arith.mulf %get3A_143, %exp3A_151 : vector<16xf32>
          %add3A_153 = arith.addf %scan3A_91, %mul3A_152 : vector<16xf32>
          scf.yield %add3A_105, %add3A_121, %add3A_137, %add3A_153 : vector<16xf32>, vector<16xf32>, vector<16xf32>, vector<16xf32>
        }
        %scan3A_48 = arith.constant 16 : i32
        %add3A_49 = arith.addf %scan3A_47#0, %scan3A_47#1 : vector<16xf32>
        %add3A_50 = arith.addf %scan3A_47#2, %scan3A_47#3 : vector<16xf32>
        %add3A_51 = arith.addf %add3A_49, %add3A_50 : vector<16xf32>
        %bitcast_convert_type3A = tpu.bitcast %add3A_51 : vector<16xf32> -> vector<16xi32>
        %convert_element_type3A_52 = arith.sitofp %bitcast_convert_type3A : vector<16xi32> to vector<16xf32>
        %mul3A_53 = arith.constant 8.26295832E-8 : f32
        %mul3A_54 = vector.broadcast %mul3A_53 : f32 to vector<16xf32>
        %mul3A_55 = arith.mulf %convert_element_type3A_52, %mul3A_54 : vector<16xf32>
        %sub3A = arith.constant 88.0296936 : f32
        %sub3A_56 = vector.broadcast %sub3A : f32 to vector<16xf32>
        %sub3A_57 = arith.subf %mul3A_55, %sub3A_56 : vector<16xf32>
        %neg3A = arith.constant 0.000000e+00 : f32
        %neg3A_58 = vector.broadcast %neg3A : f32 to vector<16xf32>
        %neg3A_59 = arith.subf %neg3A_58, %sub3A_57 : vector<16xf32>
        %exp3A = math.exp %neg3A_59 : vector<16xf32>
        %mul3A_60 = arith.mulf %add3A_51, %exp3A : vector<16xf32>
        %add3A_61 = arith.addf %sub3A_57, %mul3A_60 : vector<16xf32>
        %sub3A_62 = arith.constant 1.000000e+00 : f32
        %sub3A_63 = vector.broadcast %sub3A_62 : f32 to vector<16xf32>
        %sub3A_64 = arith.subf %add3A_61, %sub3A_63 : vector<16xf32>
        %neg3A_65 = arith.constant 0.000000e+00 : f32
        %neg3A_66 = vector.broadcast %neg3A_65 : f32 to vector<16xf32>
        %neg3A_67 = arith.subf %neg3A_66, %sub3A_64 : vector<16xf32>
        %exp3A_68 = math.exp %neg3A_67 : vector<16xf32>
        %mul3A_69 = arith.mulf %add3A_51, %exp3A_68 : vector<16xf32>
        %add3A_70 = arith.addf %sub3A_64, %mul3A_69 : vector<16xf32>
        %sub3A_71 = arith.constant 1.000000e+00 : f32
        %sub3A_72 = vector.broadcast %sub3A_71 : f32 to vector<16xf32>
        %sub3A_73 = arith.subf %add3A_70, %sub3A_72 : vector<16xf32>
        %neg3A_74 = arith.constant 0.000000e+00 : f32
        %neg3A_75 = vector.broadcast %neg3A_74 : f32 to vector<16xf32>
        %neg3A_76 = arith.subf %neg3A_75, %sub3A_73 : vector<16xf32>
        %exp3A_77 = math.exp %neg3A_76 : vector<16xf32>
        %mul3A_78 = arith.mulf %add3A_51, %exp3A_77 : vector<16xf32>
        %add3A_79 = arith.addf %sub3A_73, %mul3A_78 : vector<16xf32>
        %sub3A_80 = arith.constant 1.000000e+00 : f32
        %sub3A_81 = vector.broadcast %sub3A_80 : f32 to vector<16xf32>
        %sub3A_82 = arith.subf %add3A_79, %sub3A_81 : vector<16xf32>
        %add3A_83 = arith.addf %max3A_41, %sub3A_82 : vector<16xf32>
        %swap3A = arith.index_cast %mul3A_14 : i32 to index
        %swap3A_84 = tpu.vector_load %arg9[%swap3A] {strides = array<i32>} : memref<128xf32, #tpu.memory_space<vmem>>, vector<16xf32>,
        %swap3A_85 = vector.shape_cast %swap3A_84 : vector<16xf32> to vector<16xf32>
        %swap3A_86 = vector.shape_cast %add3A_83 : vector<16xf32> to vector<16xf32>
        tpu.vector_store %arg9[%swap3A], %swap3A_86 {strides = array<i32>} : memref<128xf32, #tpu.memory_space<vmem>>, vector<16xf32>,
      }
      %scan3A_11 = arith.constant 8 : i32
      "tpu.region"() ({
        %run_scoped3A = tpu.sem_alloc : memref<!tpu.dma_semaphore, #tpu.memory_space<semaphore_mem>>
        %dma_start3A_12 = tpu.memref_slice %arg5[%mul3A_4] : memref<2048xf32, #tpu.memory_space<hbm>> -> memref<128xf32, #tpu.memory_space<hbm>>
        %dma_start3A_13 = tpu.memref_slice %arg5[%mul3A_4] : memref<2048xf32, #tpu.memory_space<hbm>> -> memref<128xf32, #tpu.memory_space<hbm>>
        tpu.enqueue_dma source(%arg9 : memref<128xf32, #tpu.memory_space<vmem>>) target(%dma_start3A_13 : memref<128xf32, #tpu.memory_space<hbm>>) target_semaphore(%run_scoped3A : memref<!tpu.dma_semaphore, #tpu.memory_space<semaphore_mem>>)
        %dma_wait3A_14 = tpu.memref_slice %arg5[%mul3A_4] : memref<2048xf32, #tpu.memory_space<hbm>> -> memref<128xf32, #tpu.memory_space<hbm>>
        %dma_wait3A_15 = tpu.memref_slice %arg5[%mul3A_4] : memref<2048xf32, #tpu.memory_space<hbm>> -> memref<128xf32, #tpu.memory_space<hbm>>
        tpu.wait_dma2 semaphore(%run_scoped3A : memref<!tpu.dma_semaphore, #tpu.memory_space<semaphore_mem>>) src(%arg9 : memref<128xf32, #tpu.memory_space<vmem>>) dst(%dma_wait3A_15 : memref<128xf32, #tpu.memory_space<hbm>>)
        tpu.yield
      }) : () -> ()
    } else {
    }
    return
  }
}

</mosaic_0001>

<sc_bundles>
// kernel: kernel.3.cloned.1.call-start
scs
__scs_entry_jumppad:
0x0: {  	(pc) =	sbr.rel $0x88, $3  }
0x1: {  	(tag) =	ssettag $0x0;
	lr =	simm.s32 $0x1  }
0x2: {  	[smem:$0x3F9E] =	sst lr;
	_ =	strace $0xD0000000  }
0x3: {  	_ = 	snop  }
0x4: {  	_ = 	snop  }
0x5: {  	_ = 	snop  }
0x6: {  	_ = 	snop  }
0x7: {  	_ = 	snop  }
__scs_overlays_trampoline_lowered:
0x8: {  	[smem:$0x3FAD] =	sst s0  }
0x9: {  	[smem:$0x3FAE] =	sst s1  }
0xa: {  	[smem:$0x3FAF] =	sst s2  }
0xb: {  	[smem:$0x3FB0] =	sst s3  }
0xc: {  	[smem:$0x3FB1] =	sst s4  }
0xd: {  	[smem:$0x3FB2] =	sst s5  }
0xe: {  	[smem:$0x3FB3] =	sst s6  }
0xf: {  	[smem:$0x3FB4] =	sst s7  }
0x10: {  	[smem:$0x3FB5] =	sst s8  }
0x11: {  	[smem:$0x3FB6] =	sst s9;
	s0 =	simm.s32 @!p0 $0x0  }
0x12: {  	s1 =	sld [smem:$0x3F9C];
	s0 =	simm.s32 @p0 $0x1  }
0x13: {  	[smem:$0x3FB7] =	sst s0;
	s0 =	simm.s32 @!p1 $0x0  }
0x14: {  	s2 =	sld [smem:$0x3F9B];
	s0 =	simm.s32 @p1 $0x1  }
0x15: {  	[smem:$0x3FB8] =	sst s0;
	s0 =	simm.s32 @!p2 $0x0  }
0x16: {  	s3 =	sld [smem:$0x3FDB];
	s0 =	simm.s32 @p2 $0x1  }
0x17: {  	s4 =	simm.s32 $0x1BF5;
	[smem:$0x3FBA] =	sst s0  }
0x18: {  	s0 =	sld [smem:$0x3F9D];
	_ =	swait.ge [sflag:s4], $0x0  }
0x19: {  	s7 =	sld [smem:$0x3F9E]  }
0x1a: {  	s8 =	sadd.s32 $0xFFFFE003, lr  }
0x1b: {  	s9 =	sadd.s32 $0xFFFFFEF7, lr;
	s5 =	simm.s32 $0xFFFFFFFF;
	p2 =	slt.u32 s8, $0xFFFFF086  }
0x1c: {  	p1 =	slt.u32 s9, $0xF7A;
	s5 =	simm.s32 @!p2 $0x0  }
0x1d: {  	s5 =	simm.s32 @p1 $0x1;
	p0 =	seq.s32 s7, s2  }
0x1e: {  	s7 =	smul.u32 @!p0 $0xF7A, s2;
	p2 =	seq.s32 @!p0 s5, $0x0  }
0x1f: {  	s9 =	smul.u32 $0xF7A, s1;
	s8 =	simm.s32 @!p0 $0x1BF5;
	p2 =	por !p2, p0  }
0x20: {  	[sflag:s8] =	ssyncset.s32 @!p0 $0xFFFFF086;
	s6 =	sadd.s32 @!p0 s3, s7;
	s7 =	simm.s32 @!p0 $0x108  }
0x21: {  	s3 =	sadd.s32 s3, s9;
	s6 =	sadd.s32 @!p0 $0x88, s6;
	s7 =	simm.s32 @p2 $0x1082  }
0x22: {  	[simem:s7], [sflag:s8] =	dma.local @!p0 [hbm:s6], $0xF7A  }
0x23: {  	s9 =	sor.u32 $0xD0000000, s2;
	s6 =	simm.s32 $0x108;
	_ =	swait.ge @!p0 [sflag:s8], $0x0  }
0x24: {  	s3 =	sadd.s32 $0x88, s3;
	s6 =	simm.s32 @!p1 $0x1082;
	[sflag:s4] =	ssyncset.s32 $0xFFFFF086  }
0x25: {  	[simem:s6], [sflag:s4] =	dma.local [hbm:s3], $0xF7A  }
0x26: {  	[smem:$0x3F9E] =	sst s1;
	(tag) =	ssettag s2;
	_ =	strace s9  }
0x27: {  	s1 =	sld [smem:$0x3FAE]  }
0x28: {  	s2 =	sld [smem:$0x3FAF]  }
0x29: {  	s4 =	sld [smem:$0x3FB1]  }
0x2a: {  	p0 =	seq.s32 s5, $0x0;
	s5 =	sld [smem:$0x3FB2]  }
0x2b: {  	s6 =	sld [smem:$0x3FB3]  }
0x2c: {  	s7 =	sld [smem:$0x3FB4]  }
0x2d: {  	s3 =	simm.s32 $0x108;
	s8 =	sld [smem:$0x3FB5]  }
0x2e: {  	s3 =	simm.s32 @!p0 $0x1082;
	s9 =	sld [smem:$0x3FB6]  }
0x2f: {  	lr =	sadd.s32 s0, s3;
	s0 =	sld [smem:$0x3FAD]  }
0x30: {  	s3 =	sld [smem:$0x3FB0]  }
0x31: {  	[smem:$0x3FB9] =	sst s10  }
0x32: {  	s10 =	sld [smem:$0x3FB7];
	_ =	sdelay $0x3  }
0x33: {  	p0 =	seq.s32 s10, $0x1;
	s10 =	sld [smem:$0x3FB9];
	_ =	sdelay $0x3  }
0x34: {  	[smem:$0x3FB9] =	sst s10  }
0x35: {  	s10 =	sld [smem:$0x3FB8];
	_ =	sdelay $0x3  }
0x36: {  	p1 =	seq.s32 s10, $0x1;
	s10 =	sld [smem:$0x3FB9];
	_ =	sdelay $0x3  }
0x37: {  	[smem:$0x3FB9] =	sst s10  }
0x38: {  	s10 =	sld [smem:$0x3FBA]  }
0x39: {  	_ = 	snop;
	(pc) =	sbr.ind lr, $3  }
0x3a: {  	_ = 	snop  }
0x3b: {  	_ = 	snop  }
0x3c: {  	p2 =	seq.s32 s10, $0x1;
	s10 =	sld [smem:$0x3FB9]  }
0x3d: {  	_ =	shalt  }
0x3e: {  	_ =	shalt  }
0x3f: {  	_ =	shalt  }
0x40: {  	_ =	shalt  }
0x41: {  	_ =	shalt  }
0x42: {  	_ =	shalt  }
0x43: {  	_ =	shalt  }
0x44: {  	_ =	shalt  }
0x45: {  	_ =	shalt  }
0x46: {  	_ =	shalt  }
0x47: {  	_ =	shalt  }
0x48: {  	_ =	shalt  }
0x49: {  	_ =	shalt  }
0x4a: {  	_ =	shalt  }
0x4b: {  	_ =	shalt  }
0x4c: {  	_ =	shalt  }
0x4d: {  	_ =	shalt  }
0x4e: {  	_ =	shalt  }
0x4f: {  	_ =	shalt  }
0x50: {  	_ =	shalt  }
0x51: {  	_ =	shalt  }
0x52: {  	_ =	shalt  }
0x53: {  	_ =	shalt  }
0x54: {  	_ =	shalt  }
0x55: {  	_ =	shalt  }
0x56: {  	_ =	shalt  }
0x57: {  	_ =	shalt  }
0x58: {  	_ =	shalt  }
0x59: {  	_ =	shalt  }
0x5a: {  	_ =	shalt  }
0x5b: {  	_ =	shalt  }
0x5c: {  	_ =	shalt  }
0x5d: {  	_ =	shalt  }
0x5e: {  	_ =	shalt  }
0x5f: {  	_ =	shalt  }
0x60: {  	_ =	shalt  }
0x61: {  	_ =	shalt  }
0x62: {  	_ =	shalt  }
0x63: {  	_ =	shalt  }
0x64: {  	_ =	shalt  }
0x65: {  	_ =	shalt  }
0x66: {  	_ =	shalt  }
0x67: {  	_ =	shalt  }
0x68: {  	_ =	shalt  }
0x69: {  	_ =	shalt  }
0x6a: {  	_ =	shalt  }
0x6b: {  	_ =	shalt  }
0x6c: {  	_ =	shalt  }
0x6d: {  	_ =	shalt  }
0x6e: {  	_ =	shalt  }
0x6f: {  	_ =	shalt  }
0x70: {  	_ =	shalt  }
0x71: {  	_ =	shalt  }
0x72: {  	_ =	shalt  }
0x73: {  	_ =	shalt  }
0x74: {  	_ =	shalt  }
0x75: {  	_ =	shalt  }
0x76: {  	_ =	shalt  }
0x77: {  	_ =	shalt  }
0x78: {  	_ =	shalt  }
0x79: {  	_ =	shalt  }
0x7a: {  	_ =	shalt  }
0x7b: {  	_ =	shalt  }
0x7c: {  	_ =	shalt  }
0x7d: {  	_ =	shalt  }
0x7e: {  	_ =	shalt  }
0x7f: {  	_ =	shalt  }
0x80: {  	_ =	shalt  }
0x81: {  	_ =	shalt  }
0x82: {  	_ =	shalt  }
0x83: {  	_ =	shalt  }
0x84: {  	_ =	shalt  }
0x85: {  	_ =	shalt  }
0x86: {  	_ =	shalt  }
0x87: {  	_ =	shalt  }
.Lfunc_end0:
.L_simem_size_0:
called_computation_lowered:
.L_overlay_start_0:
0x88: {  	s0 =	sld [smem:$0x3FD9]  }
0x89: {  	s1 =	sld [smem:$0x3FFE];
	_ =	sdelay $0x3  }
0x8a: {  	s0 =	sadd.s32 s1, s0  }
0x8b: {  	[smem:$0x3FC5] =	sst s0  }
0x8c: {  	_ = 	snop  }
0x8d: {  	s0 =	sld [smem:$0x3FC9]  }
0x8e: {  	s16 =	sld [smem:$0x3FC7]  }
0x8f: {  	s2 =	sld [smem:$0x3FD0];
	(tm) =	ssettm $0x1  }
0x90: {  	s3 =	sld [smem:$0x3FFB];
	_ =	sdelay $0x3  }
0x91: {  	_ =	strace s3  }
0x92: {  	s3 =	sld [smem:$0x3FFC];
	_ =	sdelay $0x3  }
0x93: {  	_ =	strace s3  }
0x94: {  	s3 =	sld [smem:$0x3FFD];
	_ =	sdelay $0x3  }
0x95: {  	_ =	strace s3  }
0x96: {  	_ =	strace $0x8FFFFFFF  }
0x97: {  	s17 =	sld [smem:$0x3FDB];
	_ =	sdelay $0x1  }
0x98: {  	s4 =	simm.s32 $_scs_section_size  }
0x99: {  	s5 =	simm.s32 $_size__tile_overlayer_lowered;
	s6 =	simm.s32 $_tile_overlayer_lowered  }
0x9a: {  	s20 =	simm.s32 $0x1BFF;
	s19 =	sshll.u32 s6, $0x1;
	s3 =	sadd.s32 s4, s17  }
0x9b: {  	s7 =	simm.s32 $0x0;
	s18 =	sshll.u32 s5, $0x1;
	s5 =	sadd.s32 s19, s3  }
0x9c: {  	[timem:s7], [sflag:s20] =	dma.local [hbm:s5], s18  }
0x9d: {  	_ =	swait.ge [sflag:s20], s18  }
0x9e: {  	s4 =	ssub.s32 $0x0, s18;
	[sflag:s20] =	ssyncset.done $0x0  }
0x9f: {  	[sflag:s20] =	ssyncadd.s32 s4;
	_ =	sdelay $0x1  }
0xa0: {  	s21 =	simm.s32 $0x1B8B  }
0xa1: {  	_ =	swait.ge [sflag:s21], $0x1  }
0xa2: {  	[sflag:s21] =	ssyncset.done $0x0  }
0xa3: {  	s23 =	simm.s32 $0x1B8E;
	s22 =	sld [smem:$0x3FFE];
	[sflag:s21] =	ssyncadd.s32 $0xFFFFFFFF  }
0xa4: {  	s24 =	simm.s32 $execute0_lowered;
	[smem:$0x3FD2] =	sst s23  }
0xa5: {  	s5 =	sshll.u32 s24, $0x1;
	_ =	strace $0x80000046;
	[dreg:$0x1] =	wrdreg $0xFFFFFFFF  }
0xa6: {  	s25 =	simm.s32 $_size_execute0_lowered;
	s3 =	sadd.s32 s3, s5;
	[dreg:$0x0] =	wrdreg $0x0  }
0xa7: {  	s5 =	sshll.u32 s25, $0x1;
	[dreg:$0x2] =	wrdreg s3  }
0xa8: {  	[dreg:$0x3] =	wrdreg s5  }
0xa9: {  	[dreg:$0x4] =	wrdreg $0xC0  }
0xaa: {  	_ =	task [dreg:s7], $0x5FFFF  }
0xab: {  	[dreg:$0x1] =	wrdreg $0xFFFFFFFF  }
0xac: {  	[dreg:$0x0] =	wrdreg $0x60  }
0xad: {  	[dreg:$0x2] =	wrdreg s0  }
0xae: {  	[dreg:$0x3] =	wrdreg s16  }
0xaf: {  	[dreg:$0x4] =	wrdreg s22  }
0xb0: {  	[dreg:$0x5] =	wrdreg s2  }
0xb1: {  	[dreg:$0x6] =	wrdreg $0x9  }
0xb2: {  	_ =	task.clear_ibuf [dreg:s7], $0x7FFFF;
	_ =	strace $0x90000046  }
0xb3: {  	s26 =	simm.s32 $0x9;
	_ =	strace $0x80000048  }
0xb4: {  	_ =	swait.ge [sflag:s26], $0x1  }
0xb5: {  	[sflag:s26] =	ssyncadd.s32 $0xFFFFFFFF  }
0xb6: {  	_ =	strace $0x90000048  }
0xb7: {  	_ =	sfence  }
0xb8: {  	s28 =	sld [smem:$0x0];
	_ =	sdelay $0x1  }
0xb9: {  	s29 =	srdreg.scid  }
0xba: {  	s30 =	sshll.u32 s29, $0xD;
	s31 =	sshrl.u32 s29, $0x2  }
0xbb: {  	s1 =	sand.u32 $0x1, s29;
	s2 =	sand.u32 $0x4000, s30;
	s0 =	sadd.s32 s31, s28  }
0xbc: {  	s1 =	sor.u32 s2, s1;
	s0 =	sshll.u32 s0, $0x11  }
0xbd: {  	s0 =	sor.u32 s0, s1  }
0xbe: {  	s0 =	sadd.s32 $0x8F2B, s0  }
0xbf: {  	[sflag:s0] =	ssyncadd.remote.s32 $0x1  }
0xc0: {  	_ =	sfence.sel $0xFFFF  }
0xc1: {  	[dreg:$0x0] =	wrdreg $0xFFFFFFFF;
	(pc) =	sbr.abs _section_cstart, $3  }
0xc2: {  	[dreg:$0x1] =	wrdreg $0xFFFFFFFF  }
0xc3: {  	_ =	task.clear_ibuf [dreg:s7], $0x2FFFF;
	_ =	strace $0x9FFFFFFF  }
0xc4: {  	(tm) =	ssettm $0x7FFFFFFF  }
0xc5: {  	_ =	shalt  }
tec
execute0_lowered:
.L_overlay_start_1:
0x0: {  	(tag) =	ssettag $0x1  }
0x1: {  	s4 =	rddreg [dreg:$0x0]  }
0x2: {  	s3 =	rddreg [dreg:$0x1]  }
0x3: {  	s5 =	rddreg [dreg:$0x2]  }
0x4: {  	s1 =	rddreg [dreg:$0x3]  }
0x5: {  	s0 =	rddreg [dreg:$0x4];
	s2 =	simm.s32 $0x0  }
0x6: {  	[smem:$0x7FF] =	sst s2  }
0x7: {  	s6 =	simm.s32 $0x2080;
	s5 =	sadd.s32 $0x400, s5;
	_ =	strace $0x80000047  }
0x8: {  	[tilespmem:s6], [sflag:$0x2] =	stream.linear.gather [hbm4b:s5+s2], $0x2000, $0x38;
	[tilespmem:$0x4100] =	vst v63  }
0x9: {  	s12 =	simm.s32 $0x3  }
0xa: {  	[tilespmem:s2], [sflag:$0x3] =	stream.linear.gather [hbm4b:s3+s2], $0x80, $0x38;
	[tilespmem:$0x4100] =	vst v63  }
0xb: {  	_ =	swait.ge [sflag:s12], $0x80  }
0xc: {  	[sflag:s12] =	ssyncset.done $0x0  }
0xd: {  	[sflag:s12] =	ssyncadd.s32 $0xFFFFFF80  }
0xe: {  	v0 =	vld [tilespmem:$0x0];
	_ =	sdelay $0x4  }
0xf: {  	v1 =	vshll.u32 v0, $0x4  }
0x10: {  	v0 =	vand.u32 $0x7, v0;
	v1 =	vand.u32 $0xFFFFFF80, v1  }
0x11: {  	v22 =	vlaneseq.u32;
	v17 =	vor.u32 v0, v1;
	v1 =	vimm.s32 $0x0  }
0x12: {  	v0 =	vmul.u32 $0x8, v22;
	v3 =	vperm.xlane v17, v1  }
0x13: {  	v2 =	vimm.s32 $0x1  }
0x14: {  	v4 =	vperm.xlane v17, v2;
	v6 =	vadd.s32 v0, v3  }
0x15: {  	v3 =	vimm.s32 $0x2  }
0x16: {  	s3 =	stileid.u32;
	v7 =	vadd.s32 v0, v4;
	v5 =	vperm.xlane v17, v3  }
0x17: {  	s13 =	sshll.u32 s3, $0x7;
	v4 =	vimm.s32 $0x3  }
0x18: {  	vm0 =	vmmov $0x1;
	s14 =	simm.s32 $0x80;
	s6 =	sadd.s32 s4, s13;
	v9 =	vperm.xlane v17, v4;
	v8 =	vadd.s32 v0, v5  }
0x19: {  	v5 =	vimm.s32 $0x4;
	[tilespmem:s14], [sflag:$0x1] =	stream.indirect_vreg.gather [hbm4b:s6+s2], $0x80, v6, vm0, $0xb8;
	[tilespmem:$0x4100] =	vst v63  }
0x1a: {  	s15 =	simm.s32 $0x100;
	v9 =	vadd.s32 v0, v9;
	v10 =	vperm.xlane v17, v5  }
0x1b: {  	v6 =	vimm.s32 $0x5;
	[tilespmem:s15], [sflag:$0x1] =	stream.indirect_vreg.gather [hbm4b:s6+s2], $0x80, v7, vm0, $0xb8;
	[tilespmem:$0x4100] =	vst v63  }
0x1c: {  	s4 =	simm.s32 $0x180;
	v10 =	vadd.s32 v0, v10;
	v23 =	vperm.xlane v17, v6  }
0x1d: {  	[tilespmem:s4], [sflag:$0x1] =	stream.indirect_vreg.gather [hbm4b:s6+s2], $0x80, v8, vm0, $0xb8;
	v8 =	vimm.s32 $0x6;
	[tilespmem:$0x4100] =	vst v63  }
0x1e: {  	s16 =	simm.s32 $0x200;
	v11 =	vadd.s32 v0, v23;
	v12 =	vperm.xlane v17, v8  }
0x1f: {  	v7 =	vimm.s32 $0x7;
	[tilespmem:s16], [sflag:$0x1] =	stream.indirect_vreg.gather [hbm4b:s6+s2], $0x80, v9, vm0, $0xb8;
	[tilespmem:$0x4100] =	vst v63  }
0x20: {  	s5 =	simm.s32 $0x280;
	v13 =	vperm.xlane v17, v7;
	v12 =	vadd.s32 v0, v12  }
0x21: {  	v9 =	vimm.s32 $0x8;
	[tilespmem:s5], [sflag:$0x1] =	stream.indirect_vreg.gather [hbm4b:s6+s2], $0x80, v10, vm0, $0xb8;
	[tilespmem:$0x4100] =	vst v63  }
0x22: {  	s7 =	simm.s32 $0x300;
	v13 =	vadd.s32 v0, v13;
	v14 =	vperm.xlane v17, v9  }
0x23: {  	v10 =	vimm.s32 $0x9;
	[tilespmem:s7], [sflag:$0x1] =	stream.indirect_vreg.gather [hbm4b:s6+s2], $0x80, v11, vm0, $0xb8;
	[tilespmem:$0x4100] =	vst v63  }
0x24: {  	s17 =	simm.s32 $0x380;
	v14 =	vadd.s32 v0, v14;
	v15 =	vperm.xlane v17, v10  }
0x25: {  	v11 =	vimm.s32 $0xA;
	[tilespmem:s17], [sflag:$0x1] =	stream.indirect_vreg.gather [hbm4b:s6+s2], $0x80, v12, vm0, $0xb8;
	[tilespmem:$0x4100] =	vst v63  }
0x26: {  	s18 =	simm.s32 $0x400;
	v15 =	vadd.s32 v0, v15;
	v16 =	vperm.xlane v17, v11  }
0x27: {  	v12 =	vimm.s32 $0xB;
	[tilespmem:s18], [sflag:$0x1] =	stream.indirect_vreg.gather [hbm4b:s6+s2], $0x80, v13, vm0, $0xb8;
	[tilespmem:$0x4100] =	vst v63  }
0x28: {  	s19 =	simm.s32 $0x480;
	v16 =	vadd.s32 v0, v16;
	v18 =	vperm.xlane v17, v12  }
0x29: {  	v13 =	vimm.s32 $0xC;
	[tilespmem:s19], [sflag:$0x1] =	stream.indirect_vreg.gather [hbm4b:s6+s2], $0x80, v14, vm0, $0xb8;
	[tilespmem:$0x4100] =	vst v63  }
0x2a: {  	s20 =	simm.s32 $0x500;
	v18 =	vadd.s32 v0, v18;
	v19 =	vperm.xlane v17, v13  }
0x2b: {  	v14 =	vimm.s32 $0xD;
	[tilespmem:s20], [sflag:$0x1] =	stream.indirect_vreg.gather [hbm4b:s6+s2], $0x80, v15, vm0, $0xb8;
	[tilespmem:$0x4100] =	vst v63  }
0x2c: {  	s21 =	simm.s32 $0x580;
	v19 =	vadd.s32 v0, v19;
	v20 =	vperm.xlane v17, v14  }
0x2d: {  	v15 =	vimm.s32 $0xE;
	[tilespmem:s21], [sflag:$0x1] =	stream.indirect_vreg.gather [hbm4b:s6+s2], $0x80, v16, vm0, $0xb8;
	[tilespmem:$0x4100] =	vst v63  }
0x2e: {  	s22 =	simm.s32 $0x600;
	v20 =	vadd.s32 v0, v20;
	v21 =	vperm.xlane v17, v15  }
0x2f: {  	v16 =	vimm.s32 $0xF;
	[tilespmem:s22], [sflag:$0x1] =	stream.indirect_vreg.gather [hbm4b:s6+s2], $0x80, v18, vm0, $0xb8;
	[tilespmem:$0x4100] =	vst v63  }
0x30: {  	s23 =	simm.s32 $0x680;
	v24 =	vadd.s32 v0, v21;
	v17 =	vperm.xlane v17, v16  }
0x31: {  	[tilespmem:s23], [sflag:$0x1] =	stream.indirect_vreg.gather [hbm4b:s6+s2], $0x80, v19, vm0, $0xb8;
	[tilespmem:$0x4100] =	vst v63  }
0x32: {  	s24 =	simm.s32 $0x700;
	v17 =	vadd.s32 v0, v17  }
0x33: {  	[tilespmem:s24], [sflag:$0x1] =	stream.indirect_vreg.gather [hbm4b:s6+s2], $0x80, v20, vm0, $0xb8;
	[tilespmem:$0x4100] =	vst v63  }
0x34: {  	s25 =	simm.s32 $0x780  }
0x35: {  	[tilespmem:s25], [sflag:$0x1] =	stream.indirect_vreg.gather [hbm4b:s6+s2], $0x80, v24, vm0, $0xb8;
	[tilespmem:$0x4100] =	vst v63  }
0x36: {  	s26 =	simm.s32 $0x800  }
0x37: {  	[tilespmem:s26], [sflag:$0x1] =	stream.indirect_vreg.gather [hbm4b:s6+s2], $0x80, v17, vm0, $0xb8;
	[tilespmem:$0x4100] =	vst v63  }
0x38: {  	v17 =	vld [tilespmem:$0x10];
	_ =	sdelay $0x4  }
0x39: {  	v25 =	vshll.u32 v17, $0x4  }
0x3a: {  	v17 =	vand.u32 $0x7, v17;
	v18 =	vand.u32 $0xFFFFFF80, v25  }
0x3b: {  	v17 =	vor.u32 v17, v18  }
0x3c: {  	v18 =	vperm.xlane v17, v1;
	_ =	sdelay $0x1  }
0x3d: {  	v26 =	vperm.xlane v17, v2;
	v18 =	vadd.s32 v0, v18;
	_ =	sdelay $0x1  }
0x3e: {  	v27 =	vperm.xlane v17, v3;
	v19 =	vadd.s32 v0, v26;
	_ =	sdelay $0x1  }
0x3f: {  	s28 =	simm.s32 $0x880;
	v28 =	vperm.xlane v17, v4;
	v20 =	vadd.s32 v0, v27  }
0x40: {  	[tilespmem:s28], [sflag:$0x1] =	stream.indirect_vreg.gather [hbm4b:s6+s2], $0x80, v18, vm0, $0xb8;
	[tilespmem:$0x4100] =	vst v63  }
0x41: {  	s29 =	simm.s32 $0x900;
	v30 =	vperm.xlane v17, v5;
	v29 =	vadd.s32 v0, v28  }
0x42: {  	[tilespmem:s29], [sflag:$0x1] =	stream.indirect_vreg.gather [hbm4b:s6+s2], $0x80, v19, vm0, $0xb8;
	[tilespmem:$0x4100] =	vst v63  }
0x43: {  	s30 =	simm.s32 $0x980;
	v32 =	vperm.xlane v17, v6;
	v31 =	vadd.s32 v0, v30  }
0x44: {  	[tilespmem:s30], [sflag:$0x1] =	stream.indirect_vreg.gather [hbm4b:s6+s2], $0x80, v20, vm0, $0xb8;
	[tilespmem:$0x4100] =	vst v63  }
0x45: {  	s31 =	simm.s32 $0xA00;
	v34 =	vperm.xlane v17, v8;
	v33 =	vadd.s32 v0, v32  }
0x46: {  	[tilespmem:s31], [sflag:$0x1] =	stream.indirect_vreg.gather [hbm4b:s6+s2], $0x80, v29, vm0, $0xb8;
	[tilespmem:$0x4100] =	vst v63  }
0x47: {  	s8 =	simm.s32 $0xA80;
	v36 =	vperm.xlane v17, v7;
	v35 =	vadd.s32 v0, v34  }
0x48: {  	[tilespmem:s8], [sflag:$0x1] =	stream.indirect_vreg.gather [hbm4b:s6+s2], $0x80, v31, vm0, $0xb8;
	[tilespmem:$0x4100] =	vst v63  }
0x49: {  	s9 =	simm.s32 $0xB00;
	v38 =	vperm.xlane v17, v9;
	v37 =	vadd.s32 v0, v36  }
0x4a: {  	[tilespmem:s9], [sflag:$0x1] =	stream.indirect_vreg.gather [hbm4b:s6+s2], $0x80, v33, vm0, $0xb8;
	[tilespmem:$0x4100] =	vst v63  }
0x4b: {  	s10 =	simm.s32 $0xB80;
	v40 =	vperm.xlane v17, v10;
	v39 =	vadd.s32 v0, v38  }
0x4c: {  	[tilespmem:s10], [sflag:$0x1] =	stream.indirect_vreg.gather [hbm4b:s6+s2], $0x80, v35, vm0, $0xb8;
	[tilespmem:$0x4100] =	vst v63  }
0x4d: {  	s11 =	simm.s32 $0xC00;
	v42 =	vperm.xlane v17, v11;
	v41 =	vadd.s32 v0, v40  }
0x4e: {  	[tilespmem:s11], [sflag:$0x1] =	stream.indirect_vreg.gather [hbm4b:s6+s2], $0x80, v37, vm0, $0xb8;
	[tilespmem:$0x4100] =	vst v63  }
0x4f: {  	s12 =	simm.s32 $0xC80;
	v44 =	vperm.xlane v17, v12;
	v43 =	vadd.s32 v0, v42  }
0x50: {  	[tilespmem:s12], [sflag:$0x1] =	stream.indirect_vreg.gather [hbm4b:s6+s2], $0x80, v39, vm0, $0xb8;
	[tilespmem:$0x4100] =	vst v63  }
0x51: {  	s13 =	simm.s32 $0xD00;
	v46 =	vperm.xlane v17, v13;
	v45 =	vadd.s32 v0, v44  }
0x52: {  	[tilespmem:s13], [sflag:$0x1] =	stream.indirect_vreg.gather [hbm4b:s6+s2], $0x80, v41, vm0, $0xb8;
	[tilespmem:$0x4100] =	vst v63  }
0x53: {  	s14 =	simm.s32 $0xD80;
	v48 =	vperm.xlane v17, v14;
	v47 =	vadd.s32 v0, v46  }
0x54: {  	[tilespmem:s14], [sflag:$0x1] =	stream.indirect_vreg.gather [hbm4b:s6+s2], $0x80, v43, vm0, $0xb8;
	[tilespmem:$0x4100] =	vst v63  }
0x55: {  	s15 =	simm.s32 $0xE00;
	v50 =	vperm.xlane v17, v15;
	v49 =	vadd.s32 v0, v48  }
0x56: {  	[tilespmem:s15], [sflag:$0x1] =	stream.indirect_vreg.gather [hbm4b:s6+s2], $0x80, v45, vm0, $0xb8;
	[tilespmem:$0x4100] =	vst v63  }
0x57: {  	s16 =	simm.s32 $0xE80;
	v17 =	vperm.xlane v17, v16;
	v51 =	vadd.s32 v0, v50  }
0x58: {  	[tilespmem:s16], [sflag:$0x1] =	stream.indirect_vreg.gather [hbm4b:s6+s2], $0x80, v47, vm0, $0xb8;
	[tilespmem:$0x4100] =	vst v63  }
0x59: {  	s17 =	simm.s32 $0xF00;
	v17 =	vadd.s32 v0, v17  }
0x5a: {  	[tilespmem:s17], [sflag:$0x1] =	stream.indirect_vreg.gather [hbm4b:s6+s2], $0x80, v49, vm0, $0xb8;
	[tilespmem:$0x4100] =	vst v63  }
0x5b: {  	s18 =	simm.s32 $0xF80  }
0x5c: {  	[tilespmem:s18], [sflag:$0x1] =	stream.indirect_vreg.gather [hbm4b:s6+s2], $0x80, v51, vm0, $0xb8;
	[tilespmem:$0x4100] =	vst v63  }
0x5d: {  	s19 =	simm.s32 $0x1000  }
0x5e: {  	[tilespmem:s19], [sflag:$0x1] =	stream.indirect_vreg.gather [hbm4b:s6+s2], $0x80, v17, vm0, $0xb8;
	[tilespmem:$0x4100] =	vst v63  }
0x5f: {  	v17 =	vld [tilespmem:$0x20];
	_ =	sdelay $0x4  }
0x60: {  	v52 =	vshll.u32 v17, $0x4  }
0x61: {  	v17 =	vand.u32 $0x7, v17;
	v18 =	vand.u32 $0xFFFFFF80, v52  }
0x62: {  	v17 =	vor.u32 v17, v18  }
0x63: {  	v18 =	vperm.xlane v17, v1;
	_ =	sdelay $0x1  }
0x64: {  	v53 =	vperm.xlane v17, v2;
	v18 =	vadd.s32 v0, v18;
	_ =	sdelay $0x1  }
0x65: {  	v54 =	vperm.xlane v17, v3;
	v19 =	vadd.s32 v0, v53;
	_ =	sdelay $0x1  }
0x66: {  	s20 =	simm.s32 $0x1080;
	v55 =	vperm.xlane v17, v4;
	v20 =	vadd.s32 v0, v54  }
0x67: {  	[tilespmem:s20], [sflag:$0x1] =	stream.indirect_vreg.gather [hbm4b:s6+s2], $0x80, v18, vm0, $0xb8;
	[tilespmem:$0x4100] =	vst v63  }
0x68: {  	s21 =	simm.s32 $0x1100;
	v57 =	vperm.xlane v17, v5;
	v56 =	vadd.s32 v0, v55  }
0x69: {  	[tilespmem:s21], [sflag:$0x1] =	stream.indirect_vreg.gather [hbm4b:s6+s2], $0x80, v19, vm0, $0xb8;
	[tilespmem:$0x4100] =	vst v63  }
0x6a: {  	s22 =	simm.s32 $0x1180;
	v59 =	vperm.xlane v17, v6;
	v58 =	vadd.s32 v0, v57  }
0x6b: {  	[tilespmem:s22], [sflag:$0x1] =	stream.indirect_vreg.gather [hbm4b:s6+s2], $0x80, v20, vm0, $0xb8;
	[tilespmem:$0x4100] =	vst v63  }
0x6c: {  	s23 =	simm.s32 $0x1200;
	v61 =	vperm.xlane v17, v8;
	v60 =	vadd.s32 v0, v59  }
0x6d: {  	[tilespmem:s23], [sflag:$0x1] =	stream.indirect_vreg.gather [hbm4b:s6+s2], $0x80, v56, vm0, $0xb8;
	[tilespmem:$0x4100] =	vst v63  }
0x6e: {  	s24 =	simm.s32 $0x1280;
	v63 =	vperm.xlane v17, v7;
	v62 =	vadd.s32 v0, v61  }
0x6f: {  	[tilespmem:s24], [sflag:$0x1] =	stream.indirect_vreg.gather [hbm4b:s6+s2], $0x80, v58, vm0, $0xb8;
	[tilespmem:$0x4100] =	vst v63  }
0x70: {  	s25 =	simm.s32 $0x1300;
	v25 =	vperm.xlane v17, v9;
	v24 =	vadd.s32 v0, v63  }
0x71: {  	[tilespmem:s25], [sflag:$0x1] =	stream.indirect_vreg.gather [hbm4b:s6+s2], $0x80, v60, vm0, $0xb8;
	[tilespmem:$0x4100] =	vst v63  }
0x72: {  	s26 =	simm.s32 $0x1380;
	v27 =	vperm.xlane v17, v10;
	v26 =	vadd.s32 v0, v25  }
0x73: {  	[tilespmem:s26], [sflag:$0x1] =	stream.indirect_vreg.gather [hbm4b:s6+s2], $0x80, v62, vm0, $0xb8;
	[tilespmem:$0x4100] =	vst v63  }
0x74: {  	s28 =	simm.s32 $0x1400;
	v29 =	vperm.xlane v17, v11;
	v28 =	vadd.s32 v0, v27  }
0x75: {  	[tilespmem:s28], [sflag:$0x1] =	stream.indirect_vreg.gather [hbm4b:s6+s2], $0x80, v24, vm0, $0xb8;
	[tilespmem:$0x4100] =	vst v63  }
0x76: {  	s29 =	simm.s32 $0x1480;
	v31 =	vperm.xlane v17, v12;
	v30 =	vadd.s32 v0, v29  }
0x77: {  	[tilespmem:s29], [sflag:$0x1] =	stream.indirect_vreg.gather [hbm4b:s6+s2], $0x80, v26, vm0, $0xb8;
	[tilespmem:$0x4100] =	vst v63  }
0x78: {  	s30 =	simm.s32 $0x1500;
	v33 =	vperm.xlane v17, v13;
	v32 =	vadd.s32 v0, v31  }
0x79: {  	[tilespmem:s30], [sflag:$0x1] =	stream.indirect_vreg.gather [hbm4b:s6+s2], $0x80, v28, vm0, $0xb8;
	[tilespmem:$0x4100] =	vst v63  }
0x7a: {  	s31 =	simm.s32 $0x1580;
	v35 =	vperm.xlane v17, v14;
	v34 =	vadd.s32 v0, v33  }
0x7b: {  	[tilespmem:s31], [sflag:$0x1] =	stream.indirect_vreg.gather [hbm4b:s6+s2], $0x80, v30, vm0, $0xb8;
	[tilespmem:$0x4100] =	vst v63  }
0x7c: {  	s8 =	simm.s32 $0x1600;
	v37 =	vperm.xlane v17, v15;
	v36 =	vadd.s32 v0, v35  }
0x7d: {  	[tilespmem:s8], [sflag:$0x1] =	stream.indirect_vreg.gather [hbm4b:s6+s2], $0x80, v32, vm0, $0xb8;
	[tilespmem:$0x4100] =	vst v63  }
0x7e: {  	s9 =	simm.s32 $0x1680;
	v17 =	vperm.xlane v17, v16;
	v38 =	vadd.s32 v0, v37  }
0x7f: {  	[tilespmem:s9], [sflag:$0x1] =	stream.indirect_vreg.gather [hbm4b:s6+s2], $0x80, v34, vm0, $0xb8;
	[tilespmem:$0x4100] =	vst v63  }
0x80: {  	s10 =	simm.s32 $0x1700;
	v17 =	vadd.s32 v0, v17  }
0x81: {  	[tilespmem:s10], [sflag:$0x1] =	stream.indirect_vreg.gather [hbm4b:s6+s2], $0x80, v36, vm0, $0xb8;
	[tilespmem:$0x4100] =	vst v63  }
0x82: {  	s11 =	simm.s32 $0x1780  }
0x83: {  	[tilespmem:s11], [sflag:$0x1] =	stream.indirect_vreg.gather [hbm4b:s6+s2], $0x80, v38, vm0, $0xb8;
	[tilespmem:$0x4100] =	vst v63  }
0x84: {  	s12 =	simm.s32 $0x1800  }
0x85: {  	[tilespmem:s12], [sflag:$0x1] =	stream.indirect_vreg.gather [hbm4b:s6+s2], $0x80, v17, vm0, $0xb8;
	[tilespmem:$0x4100] =	vst v63  }
0x86: {  	v17 =	vld [tilespmem:$0x30];
	_ =	sdelay $0x4  }
0x87: {  	v39 =	vshll.u32 v17, $0x4  }
0x88: {  	v17 =	vand.u32 $0x7, v17;
	v18 =	vand.u32 $0xFFFFFF80, v39  }
0x89: {  	v17 =	vor.u32 v17, v18  }
0x8a: {  	v1 =	vperm.xlane v17, v1;
	_ =	sdelay $0x1  }
0x8b: {  	v2 =	vperm.xlane v17, v2;
	v1 =	vadd.s32 v0, v1;
	_ =	sdelay $0x1  }
0x8c: {  	v3 =	vperm.xlane v17, v3;
	v2 =	vadd.s32 v0, v2;
	_ =	sdelay $0x1  }
0x8d: {  	s13 =	simm.s32 $0x1880;
	v4 =	vperm.xlane v17, v4;
	v3 =	vadd.s32 v0, v3  }
0x8e: {  	[tilespmem:s13], [sflag:$0x1] =	stream.indirect_vreg.gather [hbm4b:s6+s2], $0x80, v1, vm0, $0xb8;
	[tilespmem:$0x4100] =	vst v63  }
0x8f: {  	s14 =	simm.s32 $0x1900;
	v41 =	vperm.xlane v17, v5;
	v40 =	vadd.s32 v0, v4  }
0x90: {  	[tilespmem:s14], [sflag:$0x1] =	stream.indirect_vreg.gather [hbm4b:s6+s2], $0x80, v2, vm0, $0xb8;
	[tilespmem:$0x4100] =	vst v63  }
0x91: {  	s15 =	simm.s32 $0x1980;
	v43 =	vperm.xlane v17, v6;
	v42 =	vadd.s32 v0, v41  }
0x92: {  	[tilespmem:s15], [sflag:$0x1] =	stream.indirect_vreg.gather [hbm4b:s6+s2], $0x80, v3, vm0, $0xb8;
	[tilespmem:$0x4100] =	vst v63  }
0x93: {  	s16 =	simm.s32 $0x1A00;
	v45 =	vperm.xlane v17, v8;
	v44 =	vadd.s32 v0, v43  }
0x94: {  	[tilespmem:s16], [sflag:$0x1] =	stream.indirect_vreg.gather [hbm4b:s6+s2], $0x80, v40, vm0, $0xb8;
	[tilespmem:$0x4100] =	vst v63  }
0x95: {  	s17 =	simm.s32 $0x1A80;
	v47 =	vperm.xlane v17, v7;
	v46 =	vadd.s32 v0, v45  }
0x96: {  	[tilespmem:s17], [sflag:$0x1] =	stream.indirect_vreg.gather [hbm4b:s6+s2], $0x80, v42, vm0, $0xb8;
	[tilespmem:$0x4100] =	vst v63  }
0x97: {  	s18 =	simm.s32 $0x1B00;
	v49 =	vperm.xlane v17, v9;
	v48 =	vadd.s32 v0, v47  }
0x98: {  	[tilespmem:s18], [sflag:$0x1] =	stream.indirect_vreg.gather [hbm4b:s6+s2], $0x80, v44, vm0, $0xb8;
	[tilespmem:$0x4100] =	vst v63  }
0x99: {  	s19 =	simm.s32 $0x1B80;
	v51 =	vperm.xlane v17, v10;
	v50 =	vadd.s32 v0, v49  }
0x9a: {  	[tilespmem:s19], [sflag:$0x1] =	stream.indirect_vreg.gather [hbm4b:s6+s2], $0x80, v46, vm0, $0xb8;
	[tilespmem:$0x4100] =	vst v63  }
0x9b: {  	s20 =	simm.s32 $0x1C00;
	v53 =	vperm.xlane v17, v11;
	v52 =	vadd.s32 v0, v51  }
0x9c: {  	[tilespmem:s20], [sflag:$0x1] =	stream.indirect_vreg.gather [hbm4b:s6+s2], $0x80, v48, vm0, $0xb8;
	[tilespmem:$0x4100] =	vst v63  }
0x9d: {  	s21 =	simm.s32 $0x1C80;
	v55 =	vperm.xlane v17, v12;
	v54 =	vadd.s32 v0, v53  }
0x9e: {  	[tilespmem:s21], [sflag:$0x1] =	stream.indirect_vreg.gather [hbm4b:s6+s2], $0x80, v50, vm0, $0xb8;
	[tilespmem:$0x4100] =	vst v63  }
0x9f: {  	s22 =	simm.s32 $0x1D00;
	v57 =	vperm.xlane v17, v13;
	v56 =	vadd.s32 v0, v55  }
0xa0: {  	[tilespmem:s22], [sflag:$0x1] =	stream.indirect_vreg.gather [hbm4b:s6+s2], $0x80, v52, vm0, $0xb8;
	[tilespmem:$0x4100] =	vst v63  }
0xa1: {  	s23 =	simm.s32 $0x1D80;
	v59 =	vperm.xlane v17, v14;
	v58 =	vadd.s32 v0, v57  }
0xa2: {  	[tilespmem:s23], [sflag:$0x1] =	stream.indirect_vreg.gather [hbm4b:s6+s2], $0x80, v54, vm0, $0xb8;
	[tilespmem:$0x4100] =	vst v63  }
0xa3: {  	s24 =	simm.s32 $0x1E00;
	v61 =	vperm.xlane v17, v15;
	v60 =	vadd.s32 v0, v59  }
0xa4: {  	[tilespmem:s24], [sflag:$0x1] =	stream.indirect_vreg.gather [hbm4b:s6+s2], $0x80, v56, vm0, $0xb8;
	[tilespmem:$0x4100] =	vst v63  }
0xa5: {  	s25 =	simm.s32 $0x1E80;
	v63 =	vperm.xlane v17, v16;
	v62 =	vadd.s32 v0, v61  }
0xa6: {  	[tilespmem:s25], [sflag:$0x1] =	stream.indirect_vreg.gather [hbm4b:s6+s2], $0x80, v58, vm0, $0xb8;
	[tilespmem:$0x4100] =	vst v63  }
0xa7: {  	s26 =	simm.s32 $0x1F00;
	v0 =	vadd.s32 v0, v63  }
0xa8: {  	[tilespmem:s26], [sflag:$0x1] =	stream.indirect_vreg.gather [hbm4b:s6+s2], $0x80, v60, vm0, $0xb8;
	[tilespmem:$0x4100] =	vst v63  }
0xa9: {  	s28 =	simm.s32 $0x1F80  }
0xaa: {  	[tilespmem:s28], [sflag:$0x1] =	stream.indirect_vreg.gather [hbm4b:s6+s2], $0x80, v62, vm0, $0xb8;
	[tilespmem:$0x4100] =	vst v63  }
0xab: {  	s29 =	simm.s32 $0x2000;
	s30 =	simm.s32 $0x2  }
0xac: {  	[tilespmem:s29], [sflag:$0x1] =	stream.indirect_vreg.gather [hbm4b:s6+s2], $0x80, v0, vm0, $0xb8;
	[tilespmem:$0x4100] =	vst v63  }
0xad: {  	_ =	swait.ge [sflag:s30], $0x2000  }
0xae: {  	[sflag:s30] =	ssyncset.done $0x0  }
0xaf: {  	s31 =	simm.s32 $0x1;
	[sflag:s30] =	ssyncadd.s32 $0xFFFFE000  }
0xb0: {  	_ =	swait.ge [sflag:s31], $0x2000  }
0xb1: {  	[sflag:s31] =	ssyncset.done $0x0  }
0xb2: {  	s10 =	simm.s32 $0x200;
	[sflag:s31] =	ssyncadd.s32 $0xFFFFE000  }
.LBB2_1:
0xb3: {  	s6 =	sshll.u32 s2, $0x4;
	v2 =	vmov s5  }
0xb4: {  	v0 =	vld [tilespmem:s6+$0x80]  }
0xb5: {  	v1 =	vld [tilespmem:s6+$0x100]  }
0xb6: {  	v3 =	vld [tilespmem:s6+$0x180]  }
0xb7: {  	s8 =	simm.s32 $0x0;
	v4 =	vld [tilespmem:s6+$0x200]  }
0xb8: {  	v7 =	vld.idx.msk [tilespmem:v2+s8+$0x180 ss:$0x1], $0xffff  }
0xb9: {  	v5 =	vld.idx.msk [tilespmem:v2+s8+$0x0 ss:$0x1], $0xffff  }
0xba: {  	v6 =	vld.idx.msk [tilespmem:v2+s8+$0x80 ss:$0x1], $0xffff  }
0xbb: {  	s7 =	simm.s32 $0x800;
	v8 =	vld.idx.msk [tilespmem:v2+s8+$0x100 ss:$0x1], $0xffff  }
.LBB2_2:
0xbc: {  	p0 =	sne.s32 s7, $0x7000  }
.Ltmp0:
0xbd: {  	s8 =	sshra.s32 s7, $0x2;
	s7 =	sadd.s32 $0x800, s7;
	(pc) =	sbr.rel @p0 .LBB2_2-.Ltmp0, $4  }
0xbe: {  	v4 =	vmax.f32 v4, v7;
	v7 =	vld.idx.msk [tilespmem:v2+s8+$0x180 ss:$0x1], $0xffff  }
0xbf: {  	v0 =	vmax.f32 v0, v5;
	v5 =	vld.idx.msk [tilespmem:v2+s8+$0x0 ss:$0x1], $0xffff  }
0xc0: {  	v1 =	vmax.f32 v1, v6;
	v6 =	vld.idx.msk [tilespmem:v2+s8+$0x80 ss:$0x1], $0xffff  }
0xc1: {  	v3 =	vmax.f32 v3, v8;
	v8 =	vld.idx.msk [tilespmem:v2+s8+$0x100 ss:$0x1], $0xffff  }
0xc2: {  	v2 =	vmov s4;
	_ =	sdelay $0x3  }
0xc3: {  	s8 =	simm.s32 $0x0  }
0xc4: {  	v9 =	vld.idx.msk [tilespmem:v2+s8+$0x80 ss:$0x1], $0xffff  }
0xc5: {  	v4 =	vmax.f32 v4, v7;
	v7 =	vld.idx.msk [tilespmem:v2+s8+$0xFFFFFF00 ss:$0x1], $0xffff  }
0xc6: {  	v0 =	vmax.f32 v0, v5;
	v1 =	vmax.f32 v1, v6;
	v3 =	vmax.f32 v3, v8;
	v5 =	vld.idx.msk [tilespmem:v2+s8+$0xFFFFFF80 ss:$0x1], $0xffff  }
0xc7: {  	v0 =	vmax.f32 v0, v1;
	v1 =	vmax.f32 v3, v4;
	v3 =	vld.idx.msk [tilespmem:v2+s8+$0x0 ss:$0x1], $0xffff  }
0xc8: {  	v10 =	vld [tilespmem:s8+$0x2100];
	v0 =	vmax.f32 v0, v1  }
0xc9: {  	v11 =	vld [tilespmem:s8+$0x2180];
	v1 =	vsub.f32 v9, v0  }
0xca: {  	v8 =	vld [tilespmem:s8+$0x2080];
	v4 =	vsub.f32 v7, v0  }
0xcb: {  	v6 =	vld.idx.msk [tilespmem:v2+s10+$0x80 ss:$0x1], $0xffff;
	v5 =	vsub.f32 v5, v0;
	v1 =	vmul.f32 $1.442695020e+00, v1  }
0xcc: {  	v12 =	vld.idx.msk [tilespmem:v2+s10+$0x0 ss:$0x1], $0xffff;
	v3 =	vsub.f32 v3, v0;
	v4 =	vmul.f32 $1.442695020e+00, v4  }
0xcd: {  	v7 =	vld.idx.msk [tilespmem:v2+s10+$0xFFFFFF00 ss:$0x1], $0xffff;
	v5 =	vmul.f32 $1.442695020e+00, v5;
	(erf) = vpow2.f32 v1  }
0xce: {  	s7 =	simm.s32 $0x400;
	v9 =	vld.idx.msk [tilespmem:v2+s10+$0xFFFFFF80 ss:$0x1], $0xffff;
	v13 =	vmul.f32 $1.442695020e+00, v3;
	(erf) = vpow2.f32 v4  }
0xcf: {  	v16 =	vld.idx.msk [tilespmem:v2+s7+$0xFFFFFF00 ss:$0x1], $0xffff;
	(erf) = vpow2.f32 v5  }
0xd0: {  	v14 =	vld.idx.msk [tilespmem:v2+s7+$0xFFFFFF80 ss:$0x1], $0xffff;
	(erf) = vpow2.f32 v13  }
0xd1: {  	v15 =	vsub.f32 v12, v0;
	v12 =	vld.idx.msk [tilespmem:v2+s7+$0x0 ss:$0x1], $0xffff;
	v5 =	vsub.f32 v6, v0  }
0xd2: {  	v6 =	vsub.f32 v7, v0;
	v7 =	vld [tilespmem:s8+$0x2200]  }
0xd3: {  	v3 =	vld [tilespmem:s10+$0x2100];
	v9 =	vsub.f32 v9, v0;
	v5 =	vmul.f32 $1.442695020e+00, v5  }
0xd4: {  	v15 =	vmul.f32 $1.442695020e+00, v15;
	v13 =	vld.idx.msk [tilespmem:v2+s7+$0x80 ss:$0x1], $0xffff;
	v6 =	vmul.f32 $1.442695020e+00, v6  }
0xd5: {  	v1 =	vld [tilespmem:s10+$0x2080];
	v9 =	vmul.f32 $1.442695020e+00, v9;
	(erf) = vpow2.f32 v5  }
0xd6: {  	v4 =	vld [tilespmem:s10+$0x2180];
	(erf) = vpow2.f32 v6;
	v17 =	vpop (erf)  }
0xd7: {  	v18 =	vsub.f32 v16, v0;
	v6 =	vld [tilespmem:s7+$0x2080];
	(erf) = vpow2.f32 v9;
	v9 =	vmul.f32 v17, v7;
	v17 =	vpop (erf)  }
0xd8: {  	v5 =	vimm.f32 $0.0e+00;
	v7 =	vld [tilespmem:s7+$0x2100];
	(erf) = vpow2.f32 v15;
	v19 =	vmul.f32 v17, v8;
	v15 =	vpop (erf)  }
0xd9: {  	v17 =	vsub.f32 v13, v0;
	v8 =	vld [tilespmem:s7+$0x2180];
	v15 =	vmul.f32 v15, v10;
	v9 =	vadd.f32 v9, v5;
	v20 =	vpop (erf)  }
0xda: {  	s9 =	simm.s32 $0x2000;
	s8 =	simm.s32 $0x600;
	v13 =	vld [tilespmem:s10+$0x2200];
	v10 =	vadd.f32 v19, v5;
	v16 =	vmul.f32 v20, v11;
	v11 =	vimm.f32 $0.0e+00  }
.LBB2_4:
0xdb: {  	p0 =	sne.s32 s9, $0x7800;
	v19 =	vld.idx.msk [tilespmem:v2+s8+$0x80 ss:$0x1], $0xffff;
	v23 =	vsub.f32 v14, v0;
	v17 =	vmul.f32 $1.442695020e+00, v17;
	v5 =	vadd.f32 v15, v5;
	v21 =	vmovc v4  }
0xdc: {  	v15 =	vsub.f32 v12, v0;
	v22 =	vld.idx.msk [tilespmem:v2+s8+$0xFFFFFF00 ss:$0x1], $0xffff;
	v24 =	vmul.f32 $1.442695020e+00, v18;
	v11 =	vadd.f32 v16, v11;
	v16 =	vmovc v6  }
0xdd: {  	v14 =	vld.idx.msk [tilespmem:v2+s8+$0xFFFFFF80 ss:$0x1], $0xffff;
	v18 =	vmul.f32 $1.442695020e+00, v23;
	(erf) = vpow2.f32 v17;
	v20 =	vmov v7  }
.Ltmp1:
0xde: {  	v17 =	vmul.f32 $1.442695020e+00, v15;
	v12 =	vld.idx.msk [tilespmem:v2+s8+$0x0 ss:$0x1], $0xffff;
	(erf) = vpow2.f32 v24;
	v7 =	vpop (erf);
	v4 =	vmov v8;
	(pc) =	sbr.rel @p0 .LBB2_4-.Ltmp1, $4  }
0xdf: {  	v6 =	vld [tilespmem:s8+$0x2080];
	(erf) = vpow2.f32 v18;
	v13 =	vmul.f32 v7, v13;
	v8 =	vpop (erf)  }
0xe0: {  	v7 =	vld [tilespmem:s8+$0x2100];
	(erf) = vpow2.f32 v17;
	v23 =	vmul.f32 v8, v1;
	v15 =	vpop (erf);
	v1 =	vmov v16  }
0xe1: {  	v17 =	vsub.f32 v19, v0;
	v8 =	vld [tilespmem:s8+$0x2180];
	v15 =	vmul.f32 v15, v3;
	v9 =	vadd.f32 v13, v9;
	v3 =	vpop (erf)  }
0xe2: {  	v18 =	vsub.f32 v22, v0;
	v13 =	vld [tilespmem:s7+$0x2200];
	v10 =	vadd.f32 v23, v10;
	v16 =	vmul.f32 v3, v21;
	v3 =	vmovc v20;
	s7 =	smov.u32 s8;
	s8 =	sshra.s32 s9, $0x2;
	s9 =	sadd.s32 $0x800, s9  }
0xe3: {  	_ =	sdelay $0x3  }
0xe4: {  	v19 =	vld.idx.msk [tilespmem:v2+s8+$0x80 ss:$0x1], $0xffff  }
0xe5: {  	v20 =	vld.idx.msk [tilespmem:v2+s8+$0xFFFFFF00 ss:$0x1], $0xffff  }
0xe6: {  	v21 =	vld.idx.msk [tilespmem:v2+s8+$0xFFFFFF80 ss:$0x1], $0xffff  }
0xe7: {  	v14 =	vsub.f32 v14, v0;
	v17 =	vmul.f32 $1.442695020e+00, v17;
	v33 =	vld.idx.msk [tilespmem:v2+s8+$0x0 ss:$0x1], $0xffff  }
0xe8: {  	v12 =	vsub.f32 v12, v0;
	v18 =	vmul.f32 $1.442695020e+00, v18  }
0xe9: {  	v14 =	vmul.f32 $1.442695020e+00, v14;
	(erf) = vpow2.f32 v17;
	v34 =	vsub.f32 v19, v0  }
0xea: {  	v12 =	vmul.f32 $1.442695020e+00, v12;
	(erf) = vpow2.f32 v18;
	v35 =	vsub.f32 v20, v0  }
0xeb: {  	(erf) = vpow2.f32 v14;
	v36 =	vsub.f32 v21, v0;
	v17 =	vmul.f32 $1.442695020e+00, v34  }
0xec: {  	(erf) = vpow2.f32 v12;
	v2 =	vsub.f32 v33, v0;
	v37 =	vmul.f32 $1.442695020e+00, v35  }
0xed: {  	v14 =	vmul.f32 $1.442695020e+00, v36;
	(erf) = vpow2.f32 v17  }
0xee: {  	v38 =	vpop (erf);
	v2 =	vmul.f32 $1.442695020e+00, v2;
	(erf) = vpow2.f32 v37  }
0xef: {  	v39 =	vpop (erf);
	(erf) = vpow2.f32 v14  }
0xf0: {  	v40 =	vpop (erf);
	(erf) = vpow2.f32 v2  }
0xf1: {  	v42 =	vld [tilespmem:s7+$0x2200];
	v41 =	vpop (erf)  }
0xf2: {  	v44 =	vld [tilespmem:s8+$0x2080];
	v43 =	vpop (erf)  }
0xf3: {  	v46 =	vld [tilespmem:s8+$0x2100];
	v13 =	vmul.f32 v38, v13;
	v45 =	vpop (erf)  }
0xf4: {  	v5 =	vadd.f32 v15, v5;
	v48 =	vld [tilespmem:s8+$0x2200];
	v11 =	vadd.f32 v16, v11;
	v1 =	vmul.f32 v39, v1;
	v47 =	vpop (erf)  }
0xf5: {  	v49 =	vld [tilespmem:s8+$0x2180];
	v3 =	vmul.f32 v40, v3;
	v9 =	vadd.f32 v13, v9;
	v2 =	vmul.f32 v41, v4;
	v50 =	vpop (erf)  }
0xf6: {  	v1 =	vadd.f32 v1, v10;
	v51 =	vmul.f32 v43, v42;
	v6 =	vmul.f32 v45, v6;
	v52 =	vpop (erf)  }
0xf7: {  	v3 =	vadd.f32 v3, v5;
	v2 =	vadd.f32 v2, v11;
	v53 =	vmul.f32 v47, v7;
	v54 =	vpop (erf)  }
0xf8: {  	v9 =	vadd.f32 v51, v9;
	v1 =	vadd.f32 v6, v1;
	v4 =	vmul.f32 v50, v8;
	v55 =	vpop (erf)  }
0xf9: {  	v3 =	vadd.f32 v53, v3;
	v56 =	vmul.f32 v52, v48;
	v7 =	vmul.f32 v54, v44;
	v57 =	vpop (erf)  }
0xfa: {  	v2 =	vadd.f32 v4, v2;
	v58 =	vmul.f32 v55, v46;
	v59 =	vmul.f32 v57, v49  }
0xfb: {  	v5 =	vadd.f32 v56, v9;
	v1 =	vadd.f32 v7, v1  }
0xfc: {  	v3 =	vadd.f32 v58, v3;
	v2 =	vadd.f32 v59, v2;
	_ =	sdelay $0x1  }
0xfd: {  	v1 =	vadd.f32 v3, v1;
	v2 =	vadd.f32 v5, v2;
	_ =	sdelay $0x1  }
0xfe: {  	v1 =	vadd.f32 v2, v1;
	_ =	sdelay $0x1  }
0xff: {  	v2 =	vcvt.s32.f32 v1;
	_ =	sdelay $0x1  }
0x100: {  	v2 =	vmul.f32 $8.262958320e-08, v2;
	_ =	sdelay $0x1  }
0x101: {  	v2 =	vadd.f32 $-8.802969360e+01, v2;
	_ =	sdelay $0x1  }
0x102: {  	v60 =	vsub.f32 $0.0e+00, v2;
	_ =	sdelay $0x1  }
0x103: {  	v3 =	vmul.f32 $1.442695020e+00, v60;
	_ =	sdelay $0x1  }
0x104: {  	(erf) = vpow2.f32 v3;
	_ =	sdelay $0x8  }
0x105: {  	v3 =	vpop (erf)  }
0x106: {  	v3 =	vmul.f32 v3, v1;
	_ =	sdelay $0x1  }
0x107: {  	v2 =	vadd.f32 v3, v2;
	_ =	sdelay $0x1  }
0x108: {  	v2 =	vadd.f32 $-1.000000000e+00, v2;
	_ =	sdelay $0x1  }
0x109: {  	v61 =	vsub.f32 $0.0e+00, v2;
	_ =	sdelay $0x1  }
0x10a: {  	v3 =	vmul.f32 $1.442695020e+00, v61;
	_ =	sdelay $0x1  }
0x10b: {  	(erf) = vpow2.f32 v3;
	_ =	sdelay $0x8  }
0x10c: {  	v3 =	vpop (erf)  }
0x10d: {  	v3 =	vmul.f32 v3, v1;
	_ =	sdelay $0x1  }
0x10e: {  	v2 =	vadd.f32 v3, v2;
	_ =	sdelay $0x1  }
0x10f: {  	v2 =	vadd.f32 $-1.000000000e+00, v2;
	_ =	sdelay $0x1  }
0x110: {  	v62 =	vsub.f32 $0.0e+00, v2;
	_ =	sdelay $0x1  }
0x111: {  	v3 =	vmul.f32 $1.442695020e+00, v62;
	_ =	sdelay $0x1  }
0x112: {  	(erf) = vpow2.f32 v3;
	_ =	sdelay $0x8  }
0x113: {  	v3 =	vpop (erf)  }
0x114: {  	v1 =	vmul.f32 v3, v1;
	_ =	sdelay $0x1  }
0x115: {  	s2 =	sadd.s32 $0x1, s2;
	v1 =	vadd.f32 v1, v2  }
0x116: {  	p0 =	sne.s32 s2, $0x8  }
.Ltmp2:
0x117: {  	v1 =	vadd.f32 $-1.000000000e+00, v1;
	(pc) =	sbr.rel @p0 .LBB2_1-.Ltmp2, $3  }
0x118: {  	_ = 	snop  }
0x119: {  	v63 =	vadd.f32 v1, v0;
	_ =	sdelay $0x1  }
0x11a: {  	s5 =	sadd.s32 $0x10, s5;
	s4 =	sadd.s32 $0x10, s4;
	[tilespmem:s6+$0x4080] =	vst v63  }
0x11b: {  	s2 =	sshll.u32 s3, $0x4;
	s30 =	simm.s32 $0x0  }
0x11c: {  	s4 =	simm.s32 $0x4080;
	s31 =	simm.s32 $0x3;
	s1 =	sadd.s32 s1, s2  }
0x11d: {  	[hbm4b:s1+s30] =	stream.linear.scatter [tilespmem:s4], [sflag:$0x3], $0x80, $0x38;
	[tilespmem:$0x4100] =	vst v63  }
0x11e: {  	_ =	swait.ge [sflag:s31], $0x80  }
0x11f: {  	[sflag:s31] =	ssyncset.done $0x0  }
0x120: {  	[sflag:s31] =	ssyncadd.s32 $0xFFFFFF80  }
0x121: {  	_ =	sfence.sel $0x180000  }
0x122: {  	[bflag:$0x0] =	sbarrier.arrive $0xFFFF  }
0x123: {  	p0 =	sne.s32 s3, $0x0;
	_ =	strace $0x90000047  }
0x124: {  	s0 =	sadd.s32 @!p0 $0x100000, s0;
	[bflag:$0x2] =	sbarrier.arrive $0xFFFF  }
0x125: {  	[sflag:s0] =	ssyncadd.tile.s32 @!p0 $0x1;
	_ =	shalt  }
.Lfunc_end2:
_tile_overlayer_lowered:
.L_overlay_start_2:
0x126: {  	(tag) =	ssettag $0x2  }
0x127: {  	s0 =	rddreg [dreg:$0x0];
	s2 =	stileid.u32  }
0x128: {  	s1 =	rddreg [dreg:$0x1];
	p0 =	sne.s32 s2, $0x0  }
0x129: {  	s3 =	rddreg [dreg:$0x2];
	[bflag:$0x3] =	sbarrier.arrive $0xFFFF;
	s2 =	simm.s32 @!p0 $0x1C03  }
0x12a: {  	[timem:s3], [sflag:s2] =	dma.local @!p0 [hbm:s0], s1  }
0x12b: {  	s0 =	simm.s32 @!p0 $0x3  }
0x12c: {  	_ =	swait.ge @!p0 [sflag:s0], s1  }
0x12d: {  	s1 =	ssub.s32 @!p0 $0x0, s1;
	[sflag:s0] =	ssyncset.done @!p0 $0x0  }
0x12e: {  	[sflag:s0] =	ssyncadd.s32 @!p0 s1  }
0x12f: {  	[bflag:$0x3] =	sbarrier.arrive $0xFFFF  }
0x130: {  	_ =	shalt  }

</sc_bundles>
